<compile_context>
chip_gen: v7x
topology: tpu7x:2x2x1
jax: 0.10.2.dev20260603
libtpu: 0.0.44.dev20260713+nightly
codegen_flags: <defaults>
</compile_context>

<pallas_src>
import functools

import jax
import jax.numpy as jnp
from jax import lax
from jax.experimental import pallas as pl
from jax.experimental.pallas import tpu as pltpu
from jax.experimental.pallas import tpu_sc as plsc

N = 10000
E = 320000
D = 128
NC = 2
NS = 16
CH = 128
CPT = 80
EP = NC * NS * CPT * CH
NP = 10240
RPT = NP // NS
NCHUNK = EP // CH
DEGW = 16

def _vmesh():
    return plsc.VectorSubcoreMesh(core_axis_name="c", subcore_axis_name="s")




@jax.jit
def _sc_degree(ed):

    @functools.partial(
        pl.kernel,
        out_type=jax.ShapeDtypeStruct((NC, NP, DEGW), jnp.float32),
        mesh=_vmesh(),
        scratch_types=[
            pltpu.VMEM((CPT, CH), jnp.int32),
            pltpu.VMEM((CH, DEGW), jnp.float32),
            pltpu.VMEM((CH, DEGW), jnp.float32),
            pltpu.VMEM_SHARED((NP, DEGW), jnp.float32),
        ],
    )
    def deg_kernel(e_hbm, out_hbm, idx_v, ones_v, zero_v, acc):
        c = lax.axis_index("c")
        s = lax.axis_index("s")
        pltpu.sync_copy(e_hbm.at[pl.ds((c * NS + s) * CPT, CPT)], idx_v)

        lane = lax.iota(jnp.int32, 16)
        onerow = jnp.where(lane == 0, 1.0, 0.0)
        zrow = jnp.zeros((16,), jnp.float32)

        @pl.loop(0, CH)
        def _fill(i):
            ones_v[i, :] = onerow
            zero_v[i, :] = zrow

        @pl.loop(0, RPT, step=CH)
        def _zero(r):
            pltpu.sync_copy(zero_v, acc.at[pl.ds(s * RPT + r, CH)])

        plsc.subcore_barrier()

        @pl.loop(0, CPT)
        def _scat(j):
            pltpu.sync_copy(ones_v, acc.at[idx_v.at[j]], add=True)

        plsc.subcore_barrier()
        pltpu.sync_copy(
            acc.at[pl.ds(s * RPT, RPT)],
            out_hbm.at[c, pl.ds(s * RPT, RPT)],
        )

    return deg_kernel(ed)


@jax.jit
def _sc_aggregate(g, es, ed):
    DW = D

    HPC = CPT // 2

    @functools.partial(
        pl.kernel,
        out_type=jax.ShapeDtypeStruct((NC, NP, DW), jnp.float32),
        mesh=_vmesh(),
        scratch_types=[
            pltpu.VMEM((HPC, CH), jnp.int32),
            pltpu.VMEM((HPC, CH), jnp.int32),
            pltpu.VMEM((CH, DW), jnp.float32),
            pltpu.VMEM((CH, DW), jnp.float32),
            pltpu.VMEM_SHARED((NP, DW), jnp.float32),
            pltpu.SemaphoreType.DMA,
            pltpu.SemaphoreType.DMA,
            pltpu.SemaphoreType.DMA,
            pltpu.SemaphoreType.DMA,
        ],
    )
    def agg_kernel(g_hbm, es_hbm, ed_hbm, out_hbm,
                   src_v, dst_v, rows0, rows1, acc, sem0, sem1, ssem0, ssem1):
        c = lax.axis_index("c")
        s = lax.axis_index("s")

        zrow = jnp.zeros((16,), jnp.float32)

        @pl.loop(0, CH)
        def _fill(i):
            @pl.loop(0, DW, step=16)
            def _fill2(q):
                rows0[i, pl.ds(q, 16)] = zrow

        @pl.loop(0, RPT, step=CH)
        def _zero(r):
            pltpu.sync_copy(rows0, acc.at[pl.ds(s * RPT + r, CH)])

        plsc.subcore_barrier()

        rows = (rows0, rows1)
        gsems = (sem0, sem1)

        for ph in range(2):
            base = (c * NS + s) * CPT + ph * HPC
            pltpu.sync_copy(es_hbm.at[pl.ds(base, HPC)], src_v)
            pltpu.sync_copy(ed_hbm.at[pl.ds(base, HPC)], dst_v)

            for b in range(2):
                pltpu.async_copy(g_hbm.at[src_v.at[b]], rows[b], gsems[b])

            @pl.loop(0, HPC, step=2)
            def _edges(j):
                for b in range(2):
                    jb = j + b
                    pltpu.make_async_copy(
                        g_hbm.at[src_v.at[jb]], rows[b], gsems[b]).wait()
                    pltpu.sync_copy(rows[b], acc.at[dst_v.at[jb]], add=True)

                    @pl.when(jb + 2 < HPC)
                    def _next():
                        pltpu.async_copy(
                            g_hbm.at[src_v.at[jb + 2]], rows[b], gsems[b])

        plsc.subcore_barrier()
        pltpu.sync_copy(
            acc.at[pl.ds(s * RPT, RPT)],
            out_hbm.at[c, pl.ds(s * RPT, RPT)],
        )

    return agg_kernel(g, es, ed)




_BT = 1024


def _dinv_block(p_ref):
    deg = 1.0 + p_ref[0, :, 0:1] + p_ref[1, :, 0:1]
    return lax.rsqrt(deg)


def _matmul_body(x_ref, w_ref, h_ref):
    h_ref[...] = jnp.dot(x_ref[...], w_ref[...],
                         preferred_element_type=jnp.float32)


def _scale_body(h_ref, p_ref, g_ref):
    g_ref[...] = h_ref[...] * _dinv_block(p_ref)


def _stage2_body(s_ref, g_ref, p_ref, b_ref, w_ref, o_ref):
    dinv = _dinv_block(p_ref)
    h = dinv * (s_ref[0] + s_ref[1] + g_ref[...]) + b_ref[...]
    h = jnp.maximum(h, 0.0)
    o_ref[...] = jnp.dot(h, w_ref[...], preferred_element_type=jnp.float32) * dinv


def _stage3_body(s_ref, g_ref, p_ref, b_ref, w_ref, bf_ref, o_ref):
    dinv = _dinv_block(p_ref)
    h = dinv * (s_ref[0] + s_ref[1] + g_ref[...]) + b_ref[...]
    h = jnp.maximum(h, 0.0)
    o_ref[...] = jnp.dot(h, w_ref[...], preferred_element_type=jnp.float32) + bf_ref[...]


_row_spec = pl.BlockSpec((_BT, D), lambda i: (i, 0))
_s_spec = pl.BlockSpec((NC, _BT, D), lambda i: (0, i, 0))
_p_spec = pl.BlockSpec((NC, _BT, DEGW), lambda i: (0, i, 0))
_w_spec = pl.BlockSpec((D, D), lambda i: (0, 0))
_b_spec = pl.BlockSpec((1, D), lambda i: (0, 0))
_out_struct = jax.ShapeDtypeStruct((NP, D), jnp.float32)
_grid = (NP // _BT,)


@jax.jit
def _tc_matmul(x, w1):
    return pl.pallas_call(
        _matmul_body,
        grid=_grid,
        in_specs=[_row_spec, _w_spec],
        out_specs=_row_spec,
        out_shape=_out_struct,
    )(x, w1)


@jax.jit
def _tc_scale(h, degp):
    return pl.pallas_call(
        _scale_body,
        grid=_grid,
        in_specs=[_row_spec, _p_spec],
        out_specs=_row_spec,
        out_shape=_out_struct,
    )(h, degp)


@jax.jit
def _tc_stage2(sp, g, degp, b, w):
    return pl.pallas_call(
        _stage2_body,
        grid=_grid,
        in_specs=[_s_spec, _row_spec, _p_spec, _b_spec, _w_spec],
        out_specs=_row_spec,
        out_shape=_out_struct,
    )(sp, g, degp, b, w)


@jax.jit
def _tc_stage3(sp, g, degp, b, w, bf):
    return pl.pallas_call(
        _stage3_body,
        grid=_grid,
        in_specs=[_s_spec, _row_spec, _p_spec, _b_spec, _w_spec, _b_spec],
        out_specs=_row_spec,
        out_shape=_out_struct,
    )(sp, g, degp, b, w, bf)




def kernel(x, edge_index, W1, b1, W2, b2, Wfc, bfc):
    pad_src = jnp.arange(EP - E, dtype=jnp.int32) % N
    pad_dst = jnp.full((EP - E,), N, jnp.int32)
    e3 = jnp.concatenate(
        [edge_index, jnp.stack([pad_src, pad_dst])], axis=1
    ).reshape(2, NCHUNK, CH)
    es, ed = e3[0], e3[1]

    w_fc = jnp.zeros((D, D), jnp.float32).at[:, : Wfc.shape[1]].set(Wfc)
    b_fc = jnp.zeros((1, D), jnp.float32).at[0, : bfc.shape[0]].set(bfc)
    b1r = b1.reshape(1, D)
    b2r = b2.reshape(1, D)

    degp = _sc_degree(ed)

    def _emu_agg(g):
        srcp = e2[:NCHUNK].reshape(-1)
        dstp = e2[NCHUNK:].reshape(-1)
        half = EP // 2
        return jnp.stack([
            jnp.zeros((NP, D)).at[dstp[:half]].add(g[srcp[:half]]),
            jnp.zeros((NP, D)).at[dstp[half:]].add(g[srcp[half:]]),
        ])
    h1 = _tc_matmul(x, W1)
    g1 = _tc_scale(h1, degp)
    s1 = _sc_aggregate(g1, es, ed)
    g2 = _tc_stage2(s1, g1, degp, b1r, W2)
    s2 = _sc_aggregate(g2, es, ed)
    out = _tc_stage3(s2, g2, degp, b2r, w_fc, b_fc)
    return out[:N, : Wfc.shape[1]]

# --- scband reference (transcript-rebuilt; emitter-appended) ---
"""Pipeline reference for scband-deformation-gnn-54666343743957 (READ-ONLY COPY).

The authoritative reference and input builder live on the scoring server;
editing this copy changes nothing except your own understanding.
"""

import jax, jax.numpy as jnp
import numpy as np

N = 10000
E = 320000
D_IN = 128
D_HID = 128
D_OUT = 3


def _glorot(key, shape):
    fan_in, fan_out = shape[0], shape[1]
    limit = float(np.sqrt(6.0 / (fan_in + fan_out)))
    return jax.random.uniform(key, shape, dtype=jnp.float32, minval=-limit, maxval=limit)


def setup_inputs(seed: int = 0) -> dict:
    key = jax.random.key(seed)
    ks = jax.random.split(key, 8)
    x = jax.random.normal(ks[0], (N, D_IN), dtype=jnp.float32)
    edge_index = jax.random.randint(ks[1], (2, E), 0, N, dtype=jnp.int32)
    W1 = _glorot(ks[2], (D_IN, D_HID))
    b1 = jnp.zeros((D_HID,), dtype=jnp.float32)
    W2 = _glorot(ks[3], (D_HID, D_HID))
    b2 = jnp.zeros((D_HID,), dtype=jnp.float32)
    Wfc = _glorot(ks[4], (D_HID, D_OUT))
    bfc = jnp.zeros((D_OUT,), dtype=jnp.float32)
    return {"x": x, "edge_index": edge_index, "W1": W1, "b1": b1, "W2": W2, "b2": b2, "Wfc": Wfc, "bfc": bfc}


def _gcn_conv(x, edge_index, W, b):
    # PyG GCNConv: add self-loops, symmetric normalization D^-1/2 (A+I) D^-1/2, then (norm-agg)(X W) + b
    n = x.shape[0]
    loop = jnp.arange(n, dtype=edge_index.dtype)
    src = jnp.concatenate([edge_index[0], loop])
    dst = jnp.concatenate([edge_index[1], loop])
    deg = jnp.zeros((n,), dtype=x.dtype).at[dst].add(1.0)
    deg_inv_sqrt = jax.lax.rsqrt(deg)  # deg >= 1 due to self-loops
    norm = deg_inv_sqrt[src] * deg_inv_sqrt[dst]
    h = x @ W
    msg = h[src] * norm[:, None]
    out = jnp.zeros((n, W.shape[1]), dtype=x.dtype).at[dst].add(msg)
    return out + b


def reference(x, edge_index, W1, b1, W2, b2, Wfc, bfc):
    h = _gcn_conv(x, edge_index, W1, b1)
    h = jax.nn.relu(h)
    h = _gcn_conv(h, edge_index, W2, b2)
    h = jax.nn.relu(h)
    out = h @ Wfc + bfc
    return out

if __name__ == "__main__":
    import jax
    _d = setup_inputs()
    print(jax.jit(kernel)(*tuple(_d.values())))

</pallas_src>

<mosaic_0001>
#map = affine_map<(d0, d1) -> (0, 0)>
#map1 = affine_map<(d0, d1) -> (0, 0, 0)>
module attributes {stable_mosaic.version = 14 : i64} {
  func.func @deg_kernel(%arg0: i32, %arg1: i32, %arg2: memref<2560x128xi32, #tpu.memory_space<hbm>>, %arg3: memref<2x10240x16xf32, #tpu.memory_space<hbm>>, %arg4: memref<80x128xi32, #tpu.memory_space<vmem>>, %arg5: memref<128x16xf32, #tpu.memory_space<vmem>>, %arg6: memref<128x16xf32, #tpu.memory_space<vmem>>, %arg7: memref<10240x16xf32, #tpu.memory_space<vmem_shared>>) attributes {dimension_semantics = [#tpu.dimension_semantics<core_parallel>, #tpu.dimension_semantics<subcore_parallel>], iteration_bounds = array<i64: 2, 16>, scalar_prefetch = 0 : i64, scratch_operands = 4 : i64, tpu.core_type = #tpu.core_type<sc_vector_subcore>, window_params = [{transform_indices = #map}, {transform_indices = #map1}]} {
    %mul3A = arith.constant 16 : i32
    %mul3A_0 = arith.muli %arg0, %mul3A : i32
    %add3A = arith.addi %mul3A_0, %arg1 : i32
    %mul3A_1 = arith.constant 80 : i32
    %mul3A_2 = arith.muli %add3A, %mul3A_1 : i32
    "tpu.region"() ({
      %run_scoped3A = tpu.sem_alloc : memref<!tpu.dma_semaphore, #tpu.memory_space<semaphore_mem>>
      %dma_start3A = arith.constant 0 : i32
      %dma_start3A_28 = tpu.memref_slice %arg2[%mul3A_2, %dma_start3A] : memref<2560x128xi32, #tpu.memory_space<hbm>> -> memref<80x128xi32, #tpu.memory_space<hbm>>
      %dma_start3A_29 = arith.constant 0 : i32
      %dma_start3A_30 = tpu.memref_slice %arg2[%mul3A_2, %dma_start3A_29] : memref<2560x128xi32, #tpu.memory_space<hbm>> -> memref<80x128xi32, #tpu.memory_space<hbm>>
      tpu.enqueue_dma source(%dma_start3A_30 : memref<80x128xi32, #tpu.memory_space<hbm>>) target(%arg4 : memref<80x128xi32, #tpu.memory_space<vmem>>) target_semaphore(%run_scoped3A : memref<!tpu.dma_semaphore, #tpu.memory_space<semaphore_mem>>)
      %dma_wait3A = arith.constant 0 : i32
      %dma_wait3A_31 = tpu.memref_slice %arg2[%mul3A_2, %dma_wait3A] : memref<2560x128xi32, #tpu.memory_space<hbm>> -> memref<80x128xi32, #tpu.memory_space<hbm>>
      %dma_wait3A_32 = arith.constant 0 : i32
      %dma_wait3A_33 = tpu.memref_slice %arg2[%mul3A_2, %dma_wait3A_32] : memref<2560x128xi32, #tpu.memory_space<hbm>> -> memref<80x128xi32, #tpu.memory_space<hbm>>
      tpu.wait_dma2 semaphore(%run_scoped3A : memref<!tpu.dma_semaphore, #tpu.memory_space<semaphore_mem>>) src(%dma_wait3A_33 : memref<80x128xi32, #tpu.memory_space<hbm>>) dst(%arg4 : memref<80x128xi32, #tpu.memory_space<vmem>>)
      tpu.yield
    }) : () -> ()
    %iota3A = tpu.iota {dimensions = array<i32: 0>} : vector<16xi32>
    %eq3A = arith.constant 0 : i32
    %eq3A_3 = vector.broadcast %eq3A : i32 to vector<16xi32>
    %eq3A_4 = arith.cmpi eq, %iota3A, %eq3A_3 : vector<16xi32>
    %jit3A = arith.constant 1.000000e+00 : f32
    %jit3A_5 = arith.constant 0.000000e+00 : f32
    %broadcast_in_dim3A = vector.broadcast %jit3A : f32 to vector<16xf32>
    %broadcast_in_dim3A_6 = vector.broadcast %jit3A_5 : f32 to vector<16xf32>
    %select_n3A = arith.select %eq3A_4, %broadcast_in_dim3A, %broadcast_in_dim3A_6 : vector<16xi1>, vector<16xf32>
    %broadcast_in_dim3A_7 = arith.constant 0.000000e+00 : f32
    %broadcast_in_dim3A_8 = vector.broadcast %broadcast_in_dim3A_7 : f32 to vector<16xf32>
    %scan3A = arith.constant 0 : i32
    %scan3A_9 = arith.constant 128 : i32
    %scan3A_10 = arith.addi %scan3A, %scan3A_9 : i32
    %scan3A_11 = arith.constant 1 : i32
    scf.for %scan3A_28 = %scan3A to %scan3A_10 step %scan3A_11  : i32 {
      %mul3A_29 = arith.constant 1 : i32
      %mul3A_30 = arith.muli %scan3A_28, %mul3A_29 : i32
      %add3A_31 = arith.constant 0 : i32
      %add3A_32 = arith.addi %add3A_31, %mul3A_30 : i32
      %swap3A = arith.index_cast %add3A_32 : i32 to index
      %swap3A_33 = arith.constant 0 : index
      %swap3A_34 = tpu.vector_load %arg5[%swap3A, %swap3A_33] {strides = array<i32>} : memref<128x16xf32, #tpu.memory_space<vmem>>, vector<1x16xf32>,
      %swap3A_35 = vector.shape_cast %swap3A_34 : vector<1x16xf32> to vector<16xf32>
      %swap3A_36 = vector.shape_cast %select_n3A : vector<16xf32> to vector<1x16xf32>
      tpu.vector_store %arg5[%swap3A, %swap3A_33], %swap3A_36 {strides = array<i32>} : memref<128x16xf32, #tpu.memory_space<vmem>>, vector<1x16xf32>,
      %swap3A_37 = arith.index_cast %add3A_32 : i32 to index
      %swap3A_38 = arith.constant 0 : index
      %swap3A_39 = tpu.vector_load %arg6[%swap3A_37, %swap3A_38] {strides = array<i32>} : memref<128x16xf32, #tpu.memory_space<vmem>>, vector<1x16xf32>,
      %swap3A_40 = vector.shape_cast %swap3A_39 : vector<1x16xf32> to vector<16xf32>
      %swap3A_41 = vector.shape_cast %broadcast_in_dim3A_8 : vector<16xf32> to vector<1x16xf32>
      tpu.vector_store %arg6[%swap3A_37, %swap3A_38], %swap3A_41 {strides = array<i32>} : memref<128x16xf32, #tpu.memory_space<vmem>>, vector<1x16xf32>,
    }
    %scan3A_12 = arith.constant 128 : i32
    %scan3A_13 = arith.constant 0 : i32
    %scan3A_14 = arith.constant 5 : i32
    %scan3A_15 = arith.addi %scan3A_13, %scan3A_14 : i32
    %scan3A_16 = arith.constant 1 : i32
    scf.for %scan3A_28 = %scan3A_13 to %scan3A_15 step %scan3A_16  : i32 {
      %mul3A_29 = arith.constant 128 : i32
      %mul3A_30 = arith.muli %scan3A_28, %mul3A_29 : i32
      %add3A_31 = arith.constant 0 : i32
      %add3A_32 = arith.addi %add3A_31, %mul3A_30 : i32
      %mul3A_33 = arith.constant 640 : i32
      %mul3A_34 = arith.muli %arg1, %mul3A_33 : i32
      %add3A_35 = arith.addi %mul3A_34, %add3A_32 : i32
      "tpu.region"() ({
        %run_scoped3A = tpu.sem_alloc : memref<!tpu.dma_semaphore, #tpu.memory_space<semaphore_mem>>
        %dma_start3A = arith.constant 0 : i32
        %dma_start3A_36 = tpu.memref_slice %arg7[%add3A_35, %dma_start3A] : memref<10240x16xf32, #tpu.memory_space<vmem_shared>> -> memref<128x16xf32, #tpu.memory_space<vmem_shared>>
        %dma_start3A_37 = arith.constant 0 : i32
        %dma_start3A_38 = tpu.memref_slice %arg7[%add3A_35, %dma_start3A_37] : memref<10240x16xf32, #tpu.memory_space<vmem_shared>> -> memref<128x16xf32, #tpu.memory_space<vmem_shared>>
        tpu.enqueue_dma source(%arg6 : memref<128x16xf32, #tpu.memory_space<vmem>>) target(%dma_start3A_38 : memref<128x16xf32, #tpu.memory_space<vmem_shared>>) target_semaphore(%run_scoped3A : memref<!tpu.dma_semaphore, #tpu.memory_space<semaphore_mem>>)
        %dma_wait3A = arith.constant 0 : i32
        %dma_wait3A_39 = tpu.memref_slice %arg7[%add3A_35, %dma_wait3A] : memref<10240x16xf32, #tpu.memory_space<vmem_shared>> -> memref<128x16xf32, #tpu.memory_space<vmem_shared>>
        %dma_wait3A_40 = arith.constant 0 : i32
        %dma_wait3A_41 = tpu.memref_slice %arg7[%add3A_35, %dma_wait3A_40] : memref<10240x16xf32, #tpu.memory_space<vmem_shared>> -> memref<128x16xf32, #tpu.memory_space<vmem_shared>>
        tpu.wait_dma2 semaphore(%run_scoped3A : memref<!tpu.dma_semaphore, #tpu.memory_space<semaphore_mem>>) src(%arg6 : memref<128x16xf32, #tpu.memory_space<vmem>>) dst(%dma_wait3A_41 : memref<128x16xf32, #tpu.memory_space<vmem_shared>>)
        tpu.yield
      }) : () -> ()
    }
    %scan3A_17 = arith.constant 5 : i32
    %barrier3A = arith.constant 0 : index
    tpu.barrier barrier_id(%barrier3A)
    %scan3A_18 = arith.constant 0 : i32
    %scan3A_19 = arith.constant 80 : i32
    %scan3A_20 = arith.addi %scan3A_18, %scan3A_19 : i32
    %scan3A_21 = arith.constant 1 : i32
    scf.for %scan3A_28 = %scan3A_18 to %scan3A_20 step %scan3A_21  : i32 {
      %mul3A_29 = arith.constant 1 : i32
      %mul3A_30 = arith.muli %scan3A_28, %mul3A_29 : i32
      %add3A_31 = arith.constant 0 : i32
      %add3A_32 = arith.addi %add3A_31, %mul3A_30 : i32
      "tpu.region"() ({
        %run_scoped3A = tpu.sem_alloc : memref<!tpu.dma_semaphore, #tpu.memory_space<semaphore_mem>>
        %dma_start3A = arith.constant 0 : i32
        %dma_start3A_33 = tpu.memref_slice %arg4[%add3A_32, %dma_start3A] : memref<80x128xi32, #tpu.memory_space<vmem>> -> memref<1x128xi32, #tpu.memory_space<vmem>>
        %dma_start3A_34 = tpu.memref_squeeze %dma_start3A_33 : memref<1x128xi32, #tpu.memory_space<vmem>> -> memref<128xi32, #tpu.memory_space<vmem>>
        %dma_start3A_35 = arith.constant 0 : i32
        %dma_start3A_36 = arith.constant 0 : i32
        %dma_start3A_37 = tpu.memref_slice %arg7[%dma_start3A_35, %dma_start3A_36] : memref<10240x16xf32, #tpu.memory_space<vmem_shared>> -> memref<10240x16xf32, #tpu.memory_space<vmem_shared>>
        tpu.enqueue_indirect_dma source(%arg5 : memref<128x16xf32, #tpu.memory_space<vmem>>) target(%dma_start3A_37 : memref<10240x16xf32, #tpu.memory_space<vmem_shared>>) offsets(%dma_start3A_34 : memref<128xi32, #tpu.memory_space<vmem>>) semaphore(%run_scoped3A : memref<!tpu.dma_semaphore, #tpu.memory_space<semaphore_mem>>) {add = true}
        %dma_wait3A = arith.constant 0 : i32
        %dma_wait3A_38 = tpu.memref_slice %arg4[%add3A_32, %dma_wait3A] : memref<80x128xi32, #tpu.memory_space<vmem>> -> memref<1x128xi32, #tpu.memory_space<vmem>>
        %dma_wait3A_39 = tpu.memref_squeeze %dma_wait3A_38 : memref<1x128xi32, #tpu.memory_space<vmem>> -> memref<128xi32, #tpu.memory_space<vmem>>
        %dma_wait3A_40 = arith.constant 0 : i32
        %dma_wait3A_41 = arith.constant 0 : i32
        %dma_wait3A_42 = tpu.memref_slice %arg7[%dma_wait3A_40, %dma_wait3A_41] : memref<10240x16xf32, #tpu.memory_space<vmem_shared>> -> memref<10240x16xf32, #tpu.memory_space<vmem_shared>>
        tpu.wait_indirect_dma semaphore(%run_scoped3A : memref<!tpu.dma_semaphore, #tpu.memory_space<semaphore_mem>>) src(%arg5 : memref<128x16xf32, #tpu.memory_space<vmem>>) dst(%dma_wait3A_42 : memref<10240x16xf32, #tpu.memory_space<vmem_shared>>)
        tpu.yield
      }) : () -> ()
    }
    %scan3A_22 = arith.constant 80 : i32
    %barrier3A_23 = arith.constant 0 : index
    tpu.barrier barrier_id(%barrier3A_23)
    %mul3A_24 = arith.constant 640 : i32
    %mul3A_25 = arith.muli %arg1, %mul3A_24 : i32
    %mul3A_26 = arith.constant 640 : i32
    %mul3A_27 = arith.muli %arg1, %mul3A_26 : i32
    "tpu.region"() ({
      %run_scoped3A = tpu.sem_alloc : memref<!tpu.dma_semaphore, #tpu.memory_space<semaphore_mem>>
      %dma_start3A = arith.constant 0 : i32
      %dma_start3A_28 = tpu.memref_slice %arg3[%arg0, %mul3A_27, %dma_start3A] : memref<2x10240x16xf32, #tpu.memory_space<hbm>> -> memref<1x640x16xf32, #tpu.memory_space<hbm>>
      %dma_start3A_29 = tpu.memref_squeeze %dma_start3A_28 : memref<1x640x16xf32, #tpu.memory_space<hbm>> -> memref<640x16xf32, #tpu.memory_space<hbm>>
      %dma_start3A_30 = arith.constant 0 : i32
      %dma_start3A_31 = tpu.memref_slice %arg7[%mul3A_25, %dma_start3A_30] : memref<10240x16xf32, #tpu.memory_space<vmem_shared>> -> memref<640x16xf32, #tpu.memory_space<vmem_shared>>
      tpu.enqueue_dma source(%dma_start3A_31 : memref<640x16xf32, #tpu.memory_space<vmem_shared>>) target(%dma_start3A_29 : memref<640x16xf32, #tpu.memory_space<hbm>>) target_semaphore(%run_scoped3A : memref<!tpu.dma_semaphore, #tpu.memory_space<semaphore_mem>>)
      %dma_wait3A = arith.constant 0 : i32
      %dma_wait3A_32 = tpu.memref_slice %arg3[%arg0, %mul3A_27, %dma_wait3A] : memref<2x10240x16xf32, #tpu.memory_space<hbm>> -> memref<1x640x16xf32, #tpu.memory_space<hbm>>
      %dma_wait3A_33 = tpu.memref_squeeze %dma_wait3A_32 : memref<1x640x16xf32, #tpu.memory_space<hbm>> -> memref<640x16xf32, #tpu.memory_space<hbm>>
      %dma_wait3A_34 = arith.constant 0 : i32
      %dma_wait3A_35 = tpu.memref_slice %arg7[%mul3A_25, %dma_wait3A_34] : memref<10240x16xf32, #tpu.memory_space<vmem_shared>> -> memref<640x16xf32, #tpu.memory_space<vmem_shared>>
      tpu.wait_dma2 semaphore(%run_scoped3A : memref<!tpu.dma_semaphore, #tpu.memory_space<semaphore_mem>>) src(%dma_wait3A_35 : memref<640x16xf32, #tpu.memory_space<vmem_shared>>) dst(%dma_wait3A_33 : memref<640x16xf32, #tpu.memory_space<hbm>>)
      tpu.yield
    }) : () -> ()
    return
  }
}

</mosaic_0001>

<sc_bundles>
// kernel: _sc_degree.3.cloned.1.call-start
scs
__scs_entry_jumppad:
0x0: {  	(pc) =	sbr.rel $0x88, $3  }
0x1: {  	(tag) =	ssettag $0x0;
	lr =	simm.s32 $0x1  }
0x2: {  	[smem:$0x3FA0] =	sst lr;
	_ =	strace $0xD0000000  }
0x3: {  	_ = 	snop  }
0x4: {  	_ = 	snop  }
0x5: {  	_ = 	snop  }
0x6: {  	_ = 	snop  }
0x7: {  	_ = 	snop  }
__scs_overlays_trampoline_lowered:
0x8: {  	[smem:$0x3FAF] =	sst s0  }
0x9: {  	[smem:$0x3FB0] =	sst s1  }
0xa: {  	[smem:$0x3FB1] =	sst s2  }
0xb: {  	[smem:$0x3FB2] =	sst s3  }
0xc: {  	[smem:$0x3FB3] =	sst s4  }
0xd: {  	[smem:$0x3FB4] =	sst s5  }
0xe: {  	[smem:$0x3FB5] =	sst s6  }
0xf: {  	[smem:$0x3FB6] =	sst s7  }
0x10: {  	[smem:$0x3FB7] =	sst s8  }
0x11: {  	[smem:$0x3FB8] =	sst s9;
	s0 =	simm.s32 @!p0 $0x0  }
0x12: {  	s1 =	sld [smem:$0x3F9E];
	s0 =	simm.s32 @p0 $0x1  }
0x13: {  	[smem:$0x3FB9] =	sst s0;
	s0 =	simm.s32 @!p1 $0x0  }
0x14: {  	s2 =	sld [smem:$0x3F9D];
	s0 =	simm.s32 @p1 $0x1  }
0x15: {  	[smem:$0x3FBA] =	sst s0;
	s0 =	simm.s32 @!p2 $0x0  }
0x16: {  	s3 =	sld [smem:$0x3FDB];
	s0 =	simm.s32 @p2 $0x1  }
0x17: {  	s4 =	simm.s32 $0x1BF5;
	[smem:$0x3FBC] =	sst s0  }
0x18: {  	s0 =	sld [smem:$0x3F9F];
	_ =	swait.ge [sflag:s4], $0x0  }
0x19: {  	s7 =	sld [smem:$0x3FA0]  }
0x1a: {  	s8 =	sadd.s32 $0xFFFFE003, lr  }
0x1b: {  	s9 =	sadd.s32 $0xFFFFFEF7, lr;
	s5 =	simm.s32 $0xFFFFFFFF;
	p2 =	slt.u32 s8, $0xFFFFF086  }
0x1c: {  	p1 =	slt.u32 s9, $0xF7A;
	s5 =	simm.s32 @!p2 $0x0  }
0x1d: {  	s5 =	simm.s32 @p1 $0x1;
	p0 =	seq.s32 s7, s2  }
0x1e: {  	s7 =	smul.u32 @!p0 $0xF7A, s2;
	p2 =	seq.s32 @!p0 s5, $0x0  }
0x1f: {  	s9 =	smul.u32 $0xF7A, s1;
	s8 =	simm.s32 @!p0 $0x1BF5;
	p2 =	por !p2, p0  }
0x20: {  	[sflag:s8] =	ssyncset.s32 @!p0 $0xFFFFF086;
	s6 =	sadd.s32 @!p0 s3, s7;
	s7 =	simm.s32 @!p0 $0x108  }
0x21: {  	s3 =	sadd.s32 s3, s9;
	s6 =	sadd.s32 @!p0 $0x88, s6;
	s7 =	simm.s32 @p2 $0x1082  }
0x22: {  	[simem:s7], [sflag:s8] =	dma.local @!p0 [hbm:s6], $0xF7A  }
0x23: {  	s9 =	sor.u32 $0xD0000000, s2;
	s6 =	simm.s32 $0x108;
	_ =	swait.ge @!p0 [sflag:s8], $0x0  }
0x24: {  	s3 =	sadd.s32 $0x88, s3;
	s6 =	simm.s32 @!p1 $0x1082;
	[sflag:s4] =	ssyncset.s32 $0xFFFFF086  }
0x25: {  	[simem:s6], [sflag:s4] =	dma.local [hbm:s3], $0xF7A  }
0x26: {  	[smem:$0x3FA0] =	sst s1;
	(tag) =	ssettag s2;
	_ =	strace s9  }
0x27: {  	s1 =	sld [smem:$0x3FB0]  }
0x28: {  	s2 =	sld [smem:$0x3FB1]  }
0x29: {  	s4 =	sld [smem:$0x3FB3]  }
0x2a: {  	p0 =	seq.s32 s5, $0x0;
	s5 =	sld [smem:$0x3FB4]  }
0x2b: {  	s6 =	sld [smem:$0x3FB5]  }
0x2c: {  	s7 =	sld [smem:$0x3FB6]  }
0x2d: {  	s3 =	simm.s32 $0x108;
	s8 =	sld [smem:$0x3FB7]  }
0x2e: {  	s3 =	simm.s32 @!p0 $0x1082;
	s9 =	sld [smem:$0x3FB8]  }
0x2f: {  	lr =	sadd.s32 s0, s3;
	s0 =	sld [smem:$0x3FAF]  }
0x30: {  	s3 =	sld [smem:$0x3FB2]  }
0x31: {  	[smem:$0x3FBB] =	sst s10  }
0x32: {  	s10 =	sld [smem:$0x3FB9];
	_ =	sdelay $0x3  }
0x33: {  	p0 =	seq.s32 s10, $0x1;
	s10 =	sld [smem:$0x3FBB];
	_ =	sdelay $0x3  }
0x34: {  	[smem:$0x3FBB] =	sst s10  }
0x35: {  	s10 =	sld [smem:$0x3FBA];
	_ =	sdelay $0x3  }
0x36: {  	p1 =	seq.s32 s10, $0x1;
	s10 =	sld [smem:$0x3FBB];
	_ =	sdelay $0x3  }
0x37: {  	[smem:$0x3FBB] =	sst s10  }
0x38: {  	s10 =	sld [smem:$0x3FBC]  }
0x39: {  	_ = 	snop;
	(pc) =	sbr.ind lr, $3  }
0x3a: {  	_ = 	snop  }
0x3b: {  	_ = 	snop  }
0x3c: {  	p2 =	seq.s32 s10, $0x1;
	s10 =	sld [smem:$0x3FBB]  }
0x3d: {  	_ =	shalt  }
0x3e: {  	_ =	shalt  }
0x3f: {  	_ =	shalt  }
0x40: {  	_ =	shalt  }
0x41: {  	_ =	shalt  }
0x42: {  	_ =	shalt  }
0x43: {  	_ =	shalt  }
0x44: {  	_ =	shalt  }
0x45: {  	_ =	shalt  }
0x46: {  	_ =	shalt  }
0x47: {  	_ =	shalt  }
0x48: {  	_ =	shalt  }
0x49: {  	_ =	shalt  }
0x4a: {  	_ =	shalt  }
0x4b: {  	_ =	shalt  }
0x4c: {  	_ =	shalt  }
0x4d: {  	_ =	shalt  }
0x4e: {  	_ =	shalt  }
0x4f: {  	_ =	shalt  }
0x50: {  	_ =	shalt  }
0x51: {  	_ =	shalt  }
0x52: {  	_ =	shalt  }
0x53: {  	_ =	shalt  }
0x54: {  	_ =	shalt  }
0x55: {  	_ =	shalt  }
0x56: {  	_ =	shalt  }
0x57: {  	_ =	shalt  }
0x58: {  	_ =	shalt  }
0x59: {  	_ =	shalt  }
0x5a: {  	_ =	shalt  }
0x5b: {  	_ =	shalt  }
0x5c: {  	_ =	shalt  }
0x5d: {  	_ =	shalt  }
0x5e: {  	_ =	shalt  }
0x5f: {  	_ =	shalt  }
0x60: {  	_ =	shalt  }
0x61: {  	_ =	shalt  }
0x62: {  	_ =	shalt  }
0x63: {  	_ =	shalt  }
0x64: {  	_ =	shalt  }
0x65: {  	_ =	shalt  }
0x66: {  	_ =	shalt  }
0x67: {  	_ =	shalt  }
0x68: {  	_ =	shalt  }
0x69: {  	_ =	shalt  }
0x6a: {  	_ =	shalt  }
0x6b: {  	_ =	shalt  }
0x6c: {  	_ =	shalt  }
0x6d: {  	_ =	shalt  }
0x6e: {  	_ =	shalt  }
0x6f: {  	_ =	shalt  }
0x70: {  	_ =	shalt  }
0x71: {  	_ =	shalt  }
0x72: {  	_ =	shalt  }
0x73: {  	_ =	shalt  }
0x74: {  	_ =	shalt  }
0x75: {  	_ =	shalt  }
0x76: {  	_ =	shalt  }
0x77: {  	_ =	shalt  }
0x78: {  	_ =	shalt  }
0x79: {  	_ =	shalt  }
0x7a: {  	_ =	shalt  }
0x7b: {  	_ =	shalt  }
0x7c: {  	_ =	shalt  }
0x7d: {  	_ =	shalt  }
0x7e: {  	_ =	shalt  }
0x7f: {  	_ =	shalt  }
0x80: {  	_ =	shalt  }
0x81: {  	_ =	shalt  }
0x82: {  	_ =	shalt  }
0x83: {  	_ =	shalt  }
0x84: {  	_ =	shalt  }
0x85: {  	_ =	shalt  }
0x86: {  	_ =	shalt  }
0x87: {  	_ =	shalt  }
.Lfunc_end0:
.L_simem_size_0:
called_computation_lowered:
.L_overlay_start_0:
0x88: {  	s2 =	sld [smem:$0x3FD9]  }
0x89: {  	s3 =	sld [smem:$0x3FFE];
	_ =	sdelay $0x1  }
0x8a: {  	s1 =	srdreg.scid  }
0x8b: {  	s0 =	sand.u32 $0x1, s1  }
0x8c: {  	s17 =	sshll.u32 s0, $0xA;
	s2 =	sadd.s32 s3, s2  }
0x8d: {  	s2 =	sadd.s32 s2, s17  }
0x8e: {  	[smem:$0x3FC7] =	sst s2  }
0x8f: {  	_ = 	snop  }
0x90: {  	s2 =	sld [smem:$0x3FC9];
	(tm) =	ssettm $0x1  }
0x91: {  	s18 =	sld [smem:$0x3FFB];
	_ =	sdelay $0x3  }
0x92: {  	_ =	strace s18  }
0x93: {  	s3 =	sld [smem:$0x3FFC];
	_ =	sdelay $0x3  }
0x94: {  	_ =	strace s3  }
0x95: {  	s3 =	sld [smem:$0x3FFD];
	_ =	sdelay $0x3  }
0x96: {  	_ =	strace s3  }
0x97: {  	_ =	strace $0x8FFFFFFF  }
0x98: {  	s19 =	sld [smem:$0x3FDB];
	_ =	sdelay $0x1  }
0x99: {  	s4 =	simm.s32 $_scs_section_size  }
0x9a: {  	s5 =	simm.s32 $_size__tile_overlayer_lowered;
	s6 =	simm.s32 $_tile_overlayer_lowered  }
0x9b: {  	s22 =	simm.s32 $0x1BFF;
	s21 =	sshll.u32 s6, $0x1;
	s3 =	sadd.s32 s4, s19  }
0x9c: {  	s7 =	simm.s32 $0x0;
	s20 =	sshll.u32 s5, $0x1;
	s5 =	sadd.s32 s21, s3  }
0x9d: {  	[timem:s7], [sflag:s22] =	dma.local [hbm:s5], s20  }
0x9e: {  	_ =	swait.ge [sflag:s22], s20  }
0x9f: {  	s4 =	ssub.s32 $0x0, s20;
	[sflag:s22] =	ssyncset.done $0x0  }
0xa0: {  	[sflag:s22] =	ssyncadd.s32 s4;
	_ =	sdelay $0x1  }
0xa1: {  	s23 =	simm.s32 $0x1B8B  }
0xa2: {  	_ =	swait.ge [sflag:s23], $0x1  }
0xa3: {  	[sflag:s23] =	ssyncset.done $0x0  }
0xa4: {  	s25 =	simm.s32 $0x1B8E;
	s24 =	sld [smem:$0x3FFE];
	[sflag:s23] =	ssyncadd.s32 $0xFFFFFFFF  }
0xa5: {  	s26 =	simm.s32 $execute0_lowered;
	[smem:$0x3FD2] =	sst s25  }
0xa6: {  	s5 =	sshll.u32 s26, $0x1;
	_ =	strace $0x80000046;
	[dreg:$0x1] =	wrdreg $0xFFFFFFFF  }
0xa7: {  	s28 =	simm.s32 $_size_execute0_lowered;
	s3 =	sadd.s32 s3, s5;
	[dreg:$0x0] =	wrdreg $0x0  }
0xa8: {  	s5 =	sshll.u32 s28, $0x1;
	[dreg:$0x2] =	wrdreg s3  }
0xa9: {  	[dreg:$0x3] =	wrdreg s5  }
0xaa: {  	[dreg:$0x4] =	wrdreg $0xC0  }
0xab: {  	_ =	task [dreg:s7], $0x5FFFF  }
0xac: {  	[dreg:$0x1] =	wrdreg $0xFFFFFFFF  }
0xad: {  	[dreg:$0x0] =	wrdreg $0x60  }
0xae: {  	[dreg:$0x2] =	wrdreg s2  }
0xaf: {  	[dreg:$0x3] =	wrdreg s24  }
0xb0: {  	[dreg:$0x4] =	wrdreg $0xA8000  }
0xb1: {  	[dreg:$0x5] =	wrdreg $0x9  }
0xb2: {  	_ =	task.clear_ibuf [dreg:s7], $0x6FFFF;
	_ =	strace $0x90000046  }
0xb3: {  	s29 =	simm.s32 $0x9;
	_ =	strace $0x80000048  }
0xb4: {  	_ =	swait.ge [sflag:s29], $0x1  }
0xb5: {  	[sflag:s29] =	ssyncadd.s32 $0xFFFFFFFF  }
0xb6: {  	_ =	strace $0x90000048  }
0xb7: {  	_ =	sfence  }
0xb8: {  	s30 =	sld [smem:$0x0];
	_ =	sdelay $0x2  }
0xb9: {  	s31 =	sshll.u32 s1, $0xD;
	s1 =	sshrl.u32 s1, $0x2  }
0xba: {  	s3 =	sand.u32 $0x4000, s31;
	s1 =	sadd.s32 s1, s30  }
0xbb: {  	s0 =	sor.u32 s3, s0;
	s1 =	sshll.u32 s1, $0x11  }
0xbc: {  	s0 =	sor.u32 s1, s0  }
0xbd: {  	s0 =	sadd.s32 $0x8F2B, s0  }
0xbe: {  	[sflag:s0] =	ssyncadd.remote.s32 $0x1  }
0xbf: {  	_ =	sfence.sel $0xFFFF  }
0xc0: {  	[dreg:$0x0] =	wrdreg $0xFFFFFFFF;
	(pc) =	sbr.abs _section_cstart, $3  }
0xc1: {  	[dreg:$0x1] =	wrdreg $0xFFFFFFFF  }
0xc2: {  	_ =	task.clear_ibuf [dreg:s7], $0x2FFFF;
	_ =	strace $0x9FFFFFFF  }
0xc3: {  	(tm) =	ssettm $0x7FFFFFFF  }
tec
execute0_lowered:
.L_overlay_start_1:
0x0: {  	(tag) =	ssettag $0x1  }
0x1: {  	s4 =	rddreg [dreg:$0x0]  }
0x2: {  	s5 =	rddreg [dreg:$0x1]  }
0x3: {  	s2 =	rddreg [dreg:$0x2]  }
0x4: {  	s0 =	srdreg.scid;
	s1 =	rddreg [dreg:$0x3];
	s3 =	simm.s32 $0x0  }
0x5: {  	s12 =	simm.s32 $0x1;
	s13 =	simm.s32 $0x6800;
	s14 =	simm.s32 $0x80  }
0x6: {  	s15 =	simm.s32 $0x2800;
	s6 =	sand.u32 $0x1, s0;
	s0 =	stileid.u32  }
0x7: {  	s18 =	simm.s32 $0x0;
	[smem:$0x7FF] =	sst s3;
	s7 =	smul.u32 $0x140000, s6  }
0x8: {  	s8 =	smul.u32 $0x14000, s0;
	s9 =	sshll.u32 s6, $0x4;
	s6 =	ssub.s32 $0x2, s6  }
0x9: {  	s29 =	smul.u32 $0x50000, s0;
	_ =	strace $0x80000047;
	s16 =	sshll.u32 s0, $0x6  }
0xa: {  	s9 =	sor.u32 s0, s9;
	s30 =	sshrl.u32 s6, $0x1;
	s7 =	sadd.s32 s8, s7  }
0xb: {  	s16 =	sor.u32 $0x1C01, s16;
	s28 =	smul.u32 $0x500, s9;
	s7 =	sshrl.u32 s7, $0x3  }
0xc: {  	s10 =	ssub.s32 s6, s30;
	s31 =	sshrl.u32 s29, $0x2;
	s7 =	sadd.s32 s7, s5  }
0xd: {  	s4 =	sadd.s32 s4, s28;
	s5 =	sadd.s32 s31, s2;
	s6 =	sadd.s32 $0x400, s7  }
0xe: {  	vm0 =	vcmask $0x300;
	v0 =	vimm.f32 $0.0e+00;
	s7 =	smax.u32 s10, $0x1;
	s8 =	sadd.s32 $0x4000, s5;
	s9 =	sadd.s32 $0x8000, s5  }
0xf: {  	v1 =	vsel vm0, $0x3F800000, v0;
	s10 =	sadd.s32 $0xC000, s5;
	s11 =	sadd.s32 $0x10000, s5;
	s17 =	sshrl.u32 s5, $0x3  }
.LBB2_1:
0x10: {  	[tilespmem:s3], [sflag:$0x1] =	stream.linear.gather [hbm4b:s4+s3], $0x2800, $0x38;
	[tilespmem:$0xD000] =	vst v63  }
0x11: {  	_ =	swait.ge [sflag:s12], $0x2800  }
0x12: {  	[sflag:s12] =	ssyncset.done $0x0  }
0x13: {  	s19 =	simm.s32 $0x200;
	s20 =	simm.s32 $0x0;
	[sflag:s12] =	ssyncadd.s32 $0xFFFFD800  }
.LBB2_2:
0x14: {  	p0 =	sne.s32 s19, $0xFE00;
	[tilespmem:s20+$0x2800] =	vst v1;
	s21 =	smov.u32 s19;
	s19 =	sadd.s32 $0x200, s19  }
.Ltmp0:
0x15: {  	[tilespmem:s20+$0x6800] =	vst v0;
	(pc) =	sbr.rel @p0 .LBB2_2-.Ltmp0, $2  }
0x16: {  	_ =	sdelay $0x2  }
0x17: {  	s20 =	sshra.s32 s21, $0x2  }
0x18: {  	[tilespmem:s20+$0x2800] =	vst v1  }
0x19: {  	[tilespmem:s20+$0x6800] =	vst v0  }
0x1a: {  	[spmem:s5] =	stream.linear.scatter [tilespmem:s13], [sflag:$0x1], $0x4000, $0x38;
	[tilespmem:$0xD000] =	vst v63  }
0x1b: {  	_ =	swait.ge [sflag:s12], $0x4000  }
0x1c: {  	[sflag:s12] =	ssyncset.done $0x0  }
0x1d: {  	[sflag:s12] =	ssyncadd.s32 $0xFFFFC000  }
0x1e: {  	[spmem:s8] =	stream.linear.scatter [tilespmem:s13], [sflag:$0x1], $0x4000, $0x38;
	[tilespmem:$0xD000] =	vst v63  }
0x1f: {  	_ =	swait.ge [sflag:s12], $0x4000  }
0x20: {  	[sflag:s12] =	ssyncset.done $0x0  }
0x21: {  	[sflag:s12] =	ssyncadd.s32 $0xFFFFC000  }
0x22: {  	[spmem:s9] =	stream.linear.scatter [tilespmem:s13], [sflag:$0x1], $0x4000, $0x38;
	[tilespmem:$0xD000] =	vst v63  }
0x23: {  	_ =	swait.ge [sflag:s12], $0x4000  }
0x24: {  	[sflag:s12] =	ssyncset.done $0x0  }
0x25: {  	[sflag:s12] =	ssyncadd.s32 $0xFFFFC000  }
0x26: {  	[spmem:s10] =	stream.linear.scatter [tilespmem:s13], [sflag:$0x1], $0x4000, $0x38;
	[tilespmem:$0xD000] =	vst v63  }
0x27: {  	_ =	swait.ge [sflag:s12], $0x4000  }
0x28: {  	[sflag:s12] =	ssyncset.done $0x0  }
0x29: {  	[sflag:s12] =	ssyncadd.s32 $0xFFFFC000  }
0x2a: {  	[spmem:s11] =	stream.linear.scatter [tilespmem:s13], [sflag:$0x1], $0x4000, $0x38;
	[tilespmem:$0xD000] =	vst v63  }
0x2b: {  	_ =	swait.ge [sflag:s12], $0x4000  }
0x2c: {  	[sflag:s12] =	ssyncset.done $0x0  }
0x2d: {  	[sflag:s12] =	ssyncadd.s32 $0xFFFFC000  }
0x2e: {  	s19 =	simm.s32 $0x0;
	[bflag:$0x0] =	sbarrier.arrive $0xFFFF  }
0x2f: {  	[spmem:s2] =	stream.indirect.scatter.add.f32 [tilespmem:s15], [sflag:$0x1], $0x10, s19, s14, $0xb8;
	[tilespmem:$0xD000] =	vst v63  }
0x30: {  	_ =	swait.ge [sflag:s12], $0x800  }
0x31: {  	s19 =	simm.s32 $0x200;
	[sflag:s12] =	ssyncset.done $0x0  }
.LBB2_4:
0x32: {  	s20 =	sshra.s32 s19, $0x2;
	[sflag:s12] =	ssyncadd.s32 $0xFFFFF800;
	p0 =	sne.s32 s19, $0x9E00  }
0x33: {  	[spmem:s2] =	stream.indirect.scatter.add.f32 [tilespmem:s15], [sflag:$0x1], $0x10, s20, s14, $0xb8;
	[tilespmem:$0xD000] =	vst v63  }
.Ltmp1:
0x34: {  	_ = 	snop;
	(pc) =	sbr.rel @p0 .LBB2_4-.Ltmp1, $4  }
0x35: {  	_ = 	snop  }
0x36: {  	s19 =	sadd.s32 $0x200, s19  }
0x37: {  	_ =	swait.ge [sflag:s12], $0x800  }
0x38: {  	[sflag:s12] =	ssyncset.done $0x0  }
0x39: {  	s18 =	sadd.s32 $0x1, s18  }
0x3a: {  	[sflag:s12] =	ssyncadd.s32 $0xFFFFF800;
	p0 =	sne.s32 s18, s7  }
.Ltmp2:
0x3b: {  	[bflag:$0x0] =	sbarrier.arrive $0xFFFF;
	(pc) =	sbr.rel @p0 .LBB2_1-.Ltmp2, $4  }
0x3c: {  	[hbm:s6], [sflag:s16] =	dma.local [spmem:s17], $0x2800  }
0x3d: {  	_ =	swait.ge [sflag:s12], $0x2800  }
0x3e: {  	[sflag:s12] =	ssyncset.done $0x0  }
0x3f: {  	[sflag:s12] =	ssyncadd.s32 $0xFFFFD800  }
0x40: {  	_ =	sfence.sel $0x180000  }
0x41: {  	[bflag:$0x0] =	sbarrier.arrive $0xFFFF  }
0x42: {  	p0 =	sne.s32 s0, $0x0;
	_ =	strace $0x90000047  }
0x43: {  	s0 =	sadd.s32 @!p0 $0x100000, s1;
	[bflag:$0x2] =	sbarrier.arrive $0xFFFF  }
0x44: {  	[sflag:s0] =	ssyncadd.tile.s32 @!p0 $0x1;
	_ =	shalt  }
.Lfunc_end2:
_tile_overlayer_lowered:
.L_overlay_start_2:
0x45: {  	(tag) =	ssettag $0x2  }
0x46: {  	s0 =	rddreg [dreg:$0x0];
	s2 =	stileid.u32  }
0x47: {  	s1 =	rddreg [dreg:$0x1];
	p0 =	sne.s32 s2, $0x0  }
0x48: {  	s3 =	rddreg [dreg:$0x2];
	[bflag:$0x3] =	sbarrier.arrive $0xFFFF;
	s2 =	simm.s32 @!p0 $0x1C01  }
0x49: {  	[timem:s3], [sflag:s2] =	dma.local @!p0 [hbm:s0], s1  }
0x4a: {  	s0 =	simm.s32 @!p0 $0x1  }
0x4b: {  	_ =	swait.ge @!p0 [sflag:s0], s1  }
0x4c: {  	s1 =	ssub.s32 @!p0 $0x0, s1;
	[sflag:s0] =	ssyncset.done @!p0 $0x0  }
0x4d: {  	[sflag:s0] =	ssyncadd.s32 @!p0 s1  }
0x4e: {  	[bflag:$0x3] =	sbarrier.arrive $0xFFFF  }
0x4f: {  	_ =	shalt  }

</sc_bundles>
